<compile_context>
chip_gen: v7x
topology: tpu7x:2x2x1
jax: 0.10.2.dev20260603
libtpu: 0.0.44.dev20260713+nightly
codegen_flags: <defaults>
</compile_context>

<pallas_src>
import functools

import jax
import jax.numpy as jnp
from jax import lax
from jax.experimental import pallas as pl
from jax.experimental.pallas import tpu as pltpu
from jax.experimental.pallas import tpu_sc as plsc

NC = 2
NS = 16
NW = NC * NS
E_CHUNK = 80
NBUF = 3


def _segment_sum_sc(h, dst3, zeros, n_pad):
    n_edges, d = h.shape
    edges_per_w = n_edges // NW
    nchunk = edges_per_w // E_CHUNK
    rows_per_s = n_pad // NS

    mesh = plsc.VectorSubcoreMesh(core_axis_name="c", subcore_axis_name="s")

    @functools.partial(
        pl.kernel,
        mesh=mesh,
        out_type=jax.ShapeDtypeStruct((NC, n_pad, d), jnp.float32),
        scratch_types=[
            pltpu.VMEM((nchunk, E_CHUNK), jnp.int32),
        ] + [pltpu.VMEM((E_CHUNK, d), jnp.float32)] * NBUF + [
            pltpu.VMEM_SHARED((n_pad, d), jnp.float32),
        ] + [pltpu.SemaphoreType.DMA] * (NBUF + 1),
    )
    def segsum(h_hbm, dst_hbm, z_hbm, out_hbm, idx_v, *rest):
        rows = rest[:NBUF]
        acc_sh = rest[NBUF]
        lsem = rest[NBUF + 1:NBUF + 1 + NBUF]
        zsem = rest[2 * NBUF + 1]
        c = lax.axis_index("c")
        s = lax.axis_index("s")
        wid = s * NC + c
        zcp = pltpu.make_async_copy(
            z_hbm, acc_sh.at[pl.ds(s * rows_per_s, rows_per_s)], zsem)
        zcp.start()
        pltpu.sync_copy(dst_hbm.at[wid], idx_v)
        base = wid * edges_per_w

        def start_load(i, b):
            blk = jnp.minimum(i, nchunk - 1)
            pltpu.make_async_copy(
                h_hbm.at[pl.ds(base + blk * E_CHUNK, E_CHUNK), :], rows[b],
                lsem[b]).start()

        for b in range(NBUF):
            start_load(jnp.int32(b), b)

        zcp.wait()
        plsc.subcore_barrier()

        def body(i, carry):
            for b in range(NBUF):
                @pl.when(i % NBUF == b)
                def _():
                    pltpu.make_async_copy(
                        h_hbm.at[pl.ds(0, E_CHUNK), :], rows[b],
                        lsem[b]).wait()
                    pltpu.sync_copy(rows[b], acc_sh.at[idx_v.at[i]], add=True)
                    start_load(i + NBUF, b)
            return carry

        lax.fori_loop(0, nchunk, body, 0)
        for b in range(NBUF):
            pltpu.make_async_copy(
                h_hbm.at[pl.ds(0, E_CHUNK), :], rows[b], lsem[b]).wait()
        plsc.subcore_barrier()
        pltpu.sync_copy(acc_sh.at[pl.ds(s * rows_per_s, rows_per_s)],
                        out_hbm.at[c, pl.ds(s * rows_per_s, rows_per_s)])

    return segsum(h, dst3, zeros)


def _mlp_tc(r, partials, W):
    n, d = r.shape
    blk = 5000

    def body(r_ref, p_ref, w_ref, o_ref):
        w = w_ref[...]
        msg = p_ref[0] + p_ref[1]
        acc = jnp.dot(r_ref[...], w[:d], preferred_element_type=jnp.float32)
        acc = acc + jnp.dot(msg, w[d:], preferred_element_type=jnp.float32)
        o_ref[...] = jnp.maximum(acc, 0.0)

    return pl.pallas_call(
        body,
        grid=(n // blk,),
        in_specs=[
            pl.BlockSpec((blk, d), lambda i: (i, 0)),
            pl.BlockSpec((2, blk, d), lambda i: (0, i, 0)),
            pl.BlockSpec((2 * d, d), lambda i: (0, 0)),
        ],
        out_specs=pl.BlockSpec((blk, d), lambda i: (i, 0)),
        out_shape=jax.ShapeDtypeStruct((n, d), jnp.float32),
    )(r, partials, W)


def kernel(r, h, nbrs, W):
    n_nodes, d = r.shape
    n_pad = ((n_nodes + NS * 8 - 1) // (NS * 8)) * (NS * 8)
    n_edges = h.shape[0]
    edges_per_w = n_edges // NW
    dst3 = nbrs[:, 0].astype(jnp.int32).reshape(
        NW, edges_per_w // E_CHUNK, E_CHUNK)
    zeros = jnp.zeros((n_pad // NS, d), jnp.float32)
    partials = _segment_sum_sc(h, dst3, zeros, n_pad)
    return _mlp_tc(r, partials, W)

# --- scband reference (transcript-rebuilt; emitter-appended) ---
"""Pipeline reference for scband-chem-prop-msg-to-node-2319282340444 (READ-ONLY COPY).

The authoritative reference and input builder live on the scoring server;
editing this copy changes nothing except your own understanding.
"""

import jax, jax.numpy as jnp
import numpy as np

N_NODES = 10000
N_EDGES = 320000
D_FEAT = 128


def setup_inputs(seed: int = 0) -> dict:
    key = jax.random.key(seed)
    k1, k2, k3, k4 = jax.random.split(key, 4)
    r = jax.random.normal(k1, (N_NODES, D_FEAT), dtype=jnp.float32)
    h = jax.random.normal(k2, (N_EDGES, D_FEAT), dtype=jnp.float32)
    nbrs = jax.random.randint(k3, (N_EDGES, 2), 0, N_NODES)
    # Linear layer weight (bias removed by remove_bias). Torch Linear(256,128) -> weight [128,256];
    # stored here transposed as [256,128] so forward is cat_node @ W.
    W = jax.random.normal(k4, (2 * D_FEAT, D_FEAT), dtype=jnp.float32) * 0.05
    return {"r": r, "h": h, "nbrs": nbrs, "W": W}


def reference(r, h, nbrs, W):
    num_nodes = r.shape[0]
    # chemprop_msg_to_node: scatter-add directed edge messages onto destination nodes (nbrs[:, 0])
    msg_to_node = jax.ops.segment_sum(h, nbrs[:, 0], num_segments=num_nodes)
    cat_node = jnp.concatenate((r, msg_to_node), axis=1)
    # output Sequential: Linear(256 -> 128, bias=False) followed by ReLU
    new_node_feats = jnp.maximum(cat_node @ W, 0.0)
    return new_node_feats

if __name__ == "__main__":
    import jax
    _d = setup_inputs()
    print(jax.jit(kernel)(*tuple(_d.values())))

</pallas_src>

<mosaic_0001>
#map = affine_map<(d0, d1) -> (0, 0)>
#map1 = affine_map<(d0, d1) -> (0, 0, 0)>
module attributes {stable_mosaic.version = 14 : i64} {
  func.func @segsum(%arg0: i32, %arg1: i32, %arg2: memref<320000x128xf32, #tpu.memory_space<hbm>>, %arg3: memref<32x125x80xi32, #tpu.memory_space<hbm>>, %arg4: memref<632x128xf32, #tpu.memory_space<hbm>>, %arg5: memref<2x10112x128xf32, #tpu.memory_space<hbm>>, %arg6: memref<125x80xi32, #tpu.memory_space<vmem>>, %arg7: memref<80x128xf32, #tpu.memory_space<vmem>>, %arg8: memref<80x128xf32, #tpu.memory_space<vmem>>, %arg9: memref<80x128xf32, #tpu.memory_space<vmem>>, %arg10: memref<10112x128xf32, #tpu.memory_space<vmem_shared>>, %arg11: memref<!tpu.dma_semaphore, #tpu.memory_space<semaphore_mem>>, %arg12: memref<!tpu.dma_semaphore, #tpu.memory_space<semaphore_mem>>, %arg13: memref<!tpu.dma_semaphore, #tpu.memory_space<semaphore_mem>>, %arg14: memref<!tpu.dma_semaphore, #tpu.memory_space<semaphore_mem>>) attributes {dimension_semantics = [#tpu.dimension_semantics<core_parallel>, #tpu.dimension_semantics<subcore_parallel>], iteration_bounds = array<i64: 2, 16>, scalar_prefetch = 0 : i64, scratch_operands = 9 : i64, tpu.core_type = #tpu.core_type<sc_vector_subcore>, window_params = [{transform_indices = #map}, {transform_indices = #map1}, {transform_indices = #map}, {transform_indices = #map1}]} {
    %mul3A = arith.constant 2 : i32
    %mul3A_0 = arith.muli %arg1, %mul3A : i32
    %add3A = arith.addi %mul3A_0, %arg0 : i32
    %mul3A_1 = arith.constant 632 : i32
    %mul3A_2 = arith.muli %arg1, %mul3A_1 : i32
    %dma_start3A = arith.constant 0 : i32
    %dma_start3A_3 = tpu.memref_slice %arg10[%mul3A_2, %dma_start3A] : memref<10112x128xf32, #tpu.memory_space<vmem_shared>> -> memref<632x128xf32, #tpu.memory_space<vmem_shared>>
    tpu.enqueue_dma source(%arg4 : memref<632x128xf32, #tpu.memory_space<hbm>>) target(%dma_start3A_3 : memref<632x128xf32, #tpu.memory_space<vmem_shared>>) target_semaphore(%arg14 : memref<!tpu.dma_semaphore, #tpu.memory_space<semaphore_mem>>)
    "tpu.region"() ({
      %run_scoped3A = tpu.sem_alloc : memref<!tpu.dma_semaphore, #tpu.memory_space<semaphore_mem>>
      %dma_start3A_64 = arith.constant 0 : i32
      %dma_start3A_65 = arith.constant 0 : i32
      %dma_start3A_66 = tpu.memref_slice %arg3[%add3A, %dma_start3A_64, %dma_start3A_65] : memref<32x125x80xi32, #tpu.memory_space<hbm>> -> memref<1x125x80xi32, #tpu.memory_space<hbm>>
      %dma_start3A_67 = tpu.memref_squeeze %dma_start3A_66 : memref<1x125x80xi32, #tpu.memory_space<hbm>> -> memref<125x80xi32, #tpu.memory_space<hbm>>
      %dma_start3A_68 = arith.constant 0 : i32
      %dma_start3A_69 = arith.constant 0 : i32
      %dma_start3A_70 = tpu.memref_slice %arg3[%add3A, %dma_start3A_68, %dma_start3A_69] : memref<32x125x80xi32, #tpu.memory_space<hbm>> -> memref<1x125x80xi32, #tpu.memory_space<hbm>>
      %dma_start3A_71 = tpu.memref_squeeze %dma_start3A_70 : memref<1x125x80xi32, #tpu.memory_space<hbm>> -> memref<125x80xi32, #tpu.memory_space<hbm>>
      tpu.enqueue_dma source(%dma_start3A_71 : memref<125x80xi32, #tpu.memory_space<hbm>>) target(%arg6 : memref<125x80xi32, #tpu.memory_space<vmem>>) target_semaphore(%run_scoped3A : memref<!tpu.dma_semaphore, #tpu.memory_space<semaphore_mem>>)
      %dma_wait3A_72 = arith.constant 0 : i32
      %dma_wait3A_73 = arith.constant 0 : i32
      %dma_wait3A_74 = tpu.memref_slice %arg3[%add3A, %dma_wait3A_72, %dma_wait3A_73] : memref<32x125x80xi32, #tpu.memory_space<hbm>> -> memref<1x125x80xi32, #tpu.memory_space<hbm>>
      %dma_wait3A_75 = tpu.memref_squeeze %dma_wait3A_74 : memref<1x125x80xi32, #tpu.memory_space<hbm>> -> memref<125x80xi32, #tpu.memory_space<hbm>>
      %dma_wait3A_76 = arith.constant 0 : i32
      %dma_wait3A_77 = arith.constant 0 : i32
      %dma_wait3A_78 = tpu.memref_slice %arg3[%add3A, %dma_wait3A_76, %dma_wait3A_77] : memref<32x125x80xi32, #tpu.memory_space<hbm>> -> memref<1x125x80xi32, #tpu.memory_space<hbm>>
      %dma_wait3A_79 = tpu.memref_squeeze %dma_wait3A_78 : memref<1x125x80xi32, #tpu.memory_space<hbm>> -> memref<125x80xi32, #tpu.memory_space<hbm>>
      tpu.wait_dma2 semaphore(%run_scoped3A : memref<!tpu.dma_semaphore, #tpu.memory_space<semaphore_mem>>) src(%dma_wait3A_79 : memref<125x80xi32, #tpu.memory_space<hbm>>) dst(%arg6 : memref<125x80xi32, #tpu.memory_space<vmem>>)
      tpu.yield
    }) : () -> ()
    %mul3A_4 = arith.constant 10000 : i32
    %mul3A_5 = arith.muli %add3A, %mul3A_4 : i32
    %min3A = arith.constant 0 : i32
    %min3A_6 = arith.constant 124 : i32
    %min3A_7 = arith.minsi %min3A, %min3A_6 : i32
    %mul3A_8 = arith.constant 80 : i32
    %mul3A_9 = arith.muli %min3A_7, %mul3A_8 : i32
    %add3A_10 = arith.addi %mul3A_5, %mul3A_9 : i32
    %dma_start3A_11 = arith.constant 0 : i32
    %dma_start3A_12 = tpu.memref_slice %arg2[%add3A_10, %dma_start3A_11] : memref<320000x128xf32, #tpu.memory_space<hbm>> -> memref<80x128xf32, #tpu.memory_space<hbm>>
    %dma_start3A_13 = arith.constant 0 : i32
    %dma_start3A_14 = tpu.memref_slice %arg2[%add3A_10, %dma_start3A_13] : memref<320000x128xf32, #tpu.memory_space<hbm>> -> memref<80x128xf32, #tpu.memory_space<hbm>>
    tpu.enqueue_dma source(%dma_start3A_14 : memref<80x128xf32, #tpu.memory_space<hbm>>) target(%arg7 : memref<80x128xf32, #tpu.memory_space<vmem>>) target_semaphore(%arg11 : memref<!tpu.dma_semaphore, #tpu.memory_space<semaphore_mem>>)
    %min3A_15 = arith.constant 1 : i32
    %min3A_16 = arith.constant 124 : i32
    %min3A_17 = arith.minsi %min3A_15, %min3A_16 : i32
    %mul3A_18 = arith.constant 80 : i32
    %mul3A_19 = arith.muli %min3A_17, %mul3A_18 : i32
    %add3A_20 = arith.addi %mul3A_5, %mul3A_19 : i32
    %dma_start3A_21 = arith.constant 0 : i32
    %dma_start3A_22 = tpu.memref_slice %arg2[%add3A_20, %dma_start3A_21] : memref<320000x128xf32, #tpu.memory_space<hbm>> -> memref<80x128xf32, #tpu.memory_space<hbm>>
    %dma_start3A_23 = arith.constant 0 : i32
    %dma_start3A_24 = tpu.memref_slice %arg2[%add3A_20, %dma_start3A_23] : memref<320000x128xf32, #tpu.memory_space<hbm>> -> memref<80x128xf32, #tpu.memory_space<hbm>>
    tpu.enqueue_dma source(%dma_start3A_24 : memref<80x128xf32, #tpu.memory_space<hbm>>) target(%arg8 : memref<80x128xf32, #tpu.memory_space<vmem>>) target_semaphore(%arg12 : memref<!tpu.dma_semaphore, #tpu.memory_space<semaphore_mem>>)
    %min3A_25 = arith.constant 2 : i32
    %min3A_26 = arith.constant 124 : i32
    %min3A_27 = arith.minsi %min3A_25, %min3A_26 : i32
    %mul3A_28 = arith.constant 80 : i32
    %mul3A_29 = arith.muli %min3A_27, %mul3A_28 : i32
    %add3A_30 = arith.addi %mul3A_5, %mul3A_29 : i32
    %dma_start3A_31 = arith.constant 0 : i32
    %dma_start3A_32 = tpu.memref_slice %arg2[%add3A_30, %dma_start3A_31] : memref<320000x128xf32, #tpu.memory_space<hbm>> -> memref<80x128xf32, #tpu.memory_space<hbm>>
    %dma_start3A_33 = arith.constant 0 : i32
    %dma_start3A_34 = tpu.memref_slice %arg2[%add3A_30, %dma_start3A_33] : memref<320000x128xf32, #tpu.memory_space<hbm>> -> memref<80x128xf32, #tpu.memory_space<hbm>>
    tpu.enqueue_dma source(%dma_start3A_34 : memref<80x128xf32, #tpu.memory_space<hbm>>) target(%arg9 : memref<80x128xf32, #tpu.memory_space<vmem>>) target_semaphore(%arg13 : memref<!tpu.dma_semaphore, #tpu.memory_space<semaphore_mem>>)
    %dma_wait3A = arith.constant 0 : i32
    %dma_wait3A_35 = tpu.memref_slice %arg10[%mul3A_2, %dma_wait3A] : memref<10112x128xf32, #tpu.memory_space<vmem_shared>> -> memref<632x128xf32, #tpu.memory_space<vmem_shared>>
    tpu.wait_dma2 semaphore(%arg14 : memref<!tpu.dma_semaphore, #tpu.memory_space<semaphore_mem>>) src(%arg4 : memref<632x128xf32, #tpu.memory_space<hbm>>) dst(%dma_wait3A_35 : memref<632x128xf32, #tpu.memory_space<vmem_shared>>)
    %barrier3A = arith.constant 0 : index
    tpu.barrier barrier_id(%barrier3A)
    %scan3A = arith.constant 0 : i32
    %scan3A_36 = arith.constant 0 : i32
    %scan3A_37 = arith.constant 125 : i32
    %scan3A_38 = arith.addi %scan3A_36, %scan3A_37 : i32
    %scan3A_39 = arith.constant 1 : i32
    scf.for %scan3A_64 = %scan3A_36 to %scan3A_38 step %scan3A_39  : i32 {
      %jit3A = arith.constant 3 : i32
      %eq3A = arith.constant 0 : i32
      %eq3A_65 = arith.cmpi eq, %jit3A, %eq3A : i32
      %jit3A_66 = arith.constant 1 : i32
      %select_n3A = arith.select %eq3A_65, %jit3A_66, %jit3A : i32
      %rem3A = arith.remsi %scan3A_64, %select_n3A : i32
      %ne3A = arith.constant 0 : i32
      %ne3A_67 = arith.cmpi ne, %rem3A, %ne3A : i32
      %lt3A = arith.constant 0 : i32
      %lt3A_68 = arith.cmpi slt, %rem3A, %lt3A : i32
      %lt3A_69 = arith.constant 0 : i32
      %lt3A_70 = arith.cmpi slt, %select_n3A, %lt3A_69 : i32
      %ne3A_71 = arith.xori %lt3A_68, %lt3A_70 : i1
      %and3A = arith.andi %ne3A_71, %ne3A_67 : i1
      %add3A_72 = arith.addi %rem3A, %select_n3A : i32
      %select_n3A_73 = arith.select %and3A, %add3A_72, %rem3A : i32
      %eq3A_74 = arith.constant 0 : i32
      %eq3A_75 = arith.cmpi eq, %select_n3A_73, %eq3A_74 : i32
      %convert_element_type3A = arith.extui %eq3A_75 : i1 to i32
      %cond3A = arith.constant 0 : i32
      %cond3A_76 = arith.cmpi ne, %convert_element_type3A, %cond3A : i32
      scf.if %cond3A_76 {
        %dma_wait3A_119 = arith.constant 0 : i32
        %dma_wait3A_120 = arith.constant 0 : i32
        %dma_wait3A_121 = tpu.memref_slice %arg2[%dma_wait3A_119, %dma_wait3A_120] : memref<320000x128xf32, #tpu.memory_space<hbm>> -> memref<80x128xf32, #tpu.memory_space<hbm>>
        %dma_wait3A_122 = arith.constant 0 : i32
        %dma_wait3A_123 = arith.constant 0 : i32
        %dma_wait3A_124 = tpu.memref_slice %arg2[%dma_wait3A_122, %dma_wait3A_123] : memref<320000x128xf32, #tpu.memory_space<hbm>> -> memref<80x128xf32, #tpu.memory_space<hbm>>
        tpu.wait_dma2 semaphore(%arg11 : memref<!tpu.dma_semaphore, #tpu.memory_space<semaphore_mem>>) src(%dma_wait3A_124 : memref<80x128xf32, #tpu.memory_space<hbm>>) dst(%arg7 : memref<80x128xf32, #tpu.memory_space<vmem>>)
        "tpu.region"() ({
          %run_scoped3A = tpu.sem_alloc : memref<!tpu.dma_semaphore, #tpu.memory_space<semaphore_mem>>
          %dma_start3A_136 = arith.constant 0 : i32
          %dma_start3A_137 = tpu.memref_slice %arg6[%scan3A_64, %dma_start3A_136] : memref<125x80xi32, #tpu.memory_space<vmem>> -> memref<1x80xi32, #tpu.memory_space<vmem>>
          %dma_start3A_138 = tpu.memref_squeeze %dma_start3A_137 : memref<1x80xi32, #tpu.memory_space<vmem>> -> memref<80xi32, #tpu.memory_space<vmem>>
          %dma_start3A_139 = arith.constant 0 : i32
          %dma_start3A_140 = arith.constant 0 : i32
          %dma_start3A_141 = tpu.memref_slice %arg10[%dma_start3A_139, %dma_start3A_140] : memref<10112x128xf32, #tpu.memory_space<vmem_shared>> -> memref<10112x128xf32, #tpu.memory_space<vmem_shared>>
          tpu.enqueue_indirect_dma source(%arg7 : memref<80x128xf32, #tpu.memory_space<vmem>>) target(%dma_start3A_141 : memref<10112x128xf32, #tpu.memory_space<vmem_shared>>) offsets(%dma_start3A_138 : memref<80xi32, #tpu.memory_space<vmem>>) semaphore(%run_scoped3A : memref<!tpu.dma_semaphore, #tpu.memory_space<semaphore_mem>>) {add = true}
          %dma_wait3A_142 = arith.constant 0 : i32
          %dma_wait3A_143 = tpu.memref_slice %arg6[%scan3A_64, %dma_wait3A_142] : memref<125x80xi32, #tpu.memory_space<vmem>> -> memref<1x80xi32, #tpu.memory_space<vmem>>
          %dma_wait3A_144 = tpu.memref_squeeze %dma_wait3A_143 : memref<1x80xi32, #tpu.memory_space<vmem>> -> memref<80xi32, #tpu.memory_space<vmem>>
          %dma_wait3A_145 = arith.constant 0 : i32
          %dma_wait3A_146 = arith.constant 0 : i32
          %dma_wait3A_147 = tpu.memref_slice %arg10[%dma_wait3A_145, %dma_wait3A_146] : memref<10112x128xf32, #tpu.memory_space<vmem_shared>> -> memref<10112x128xf32, #tpu.memory_space<vmem_shared>>
          tpu.wait_indirect_dma semaphore(%run_scoped3A : memref<!tpu.dma_semaphore, #tpu.memory_space<semaphore_mem>>) src(%arg7 : memref<80x128xf32, #tpu.memory_space<vmem>>) dst(%dma_wait3A_147 : memref<10112x128xf32, #tpu.memory_space<vmem_shared>>)
          tpu.yield
        }) : () -> ()
        %add3A_125 = arith.constant 3 : i32
        %add3A_126 = arith.addi %scan3A_64, %add3A_125 : i32
        %min3A_127 = arith.constant 124 : i32
        %min3A_128 = arith.minsi %add3A_126, %min3A_127 : i32
        %mul3A_129 = arith.constant 80 : i32
        %mul3A_130 = arith.muli %min3A_128, %mul3A_129 : i32
        %add3A_131 = arith.addi %mul3A_5, %mul3A_130 : i32
        %dma_start3A_132 = arith.constant 0 : i32
        %dma_start3A_133 = tpu.memref_slice %arg2[%add3A_131, %dma_start3A_132] : memref<320000x128xf32, #tpu.memory_space<hbm>> -> memref<80x128xf32, #tpu.memory_space<hbm>>
        %dma_start3A_134 = arith.constant 0 : i32
        %dma_start3A_135 = tpu.memref_slice %arg2[%add3A_131, %dma_start3A_134] : memref<320000x128xf32, #tpu.memory_space<hbm>> -> memref<80x128xf32, #tpu.memory_space<hbm>>
        tpu.enqueue_dma source(%dma_start3A_135 : memref<80x128xf32, #tpu.memory_space<hbm>>) target(%arg7 : memref<80x128xf32, #tpu.memory_space<vmem>>) target_semaphore(%arg11 : memref<!tpu.dma_semaphore, #tpu.memory_space<semaphore_mem>>)
      } else {
      }
      %jit3A_77 = arith.constant 3 : i32
      %eq3A_78 = arith.constant 0 : i32
      %eq3A_79 = arith.cmpi eq, %jit3A_77, %eq3A_78 : i32
      %jit3A_80 = arith.constant 1 : i32
      %select_n3A_81 = arith.select %eq3A_79, %jit3A_80, %jit3A_77 : i32
      %rem3A_82 = arith.remsi %scan3A_64, %select_n3A_81 : i32
      %ne3A_83 = arith.constant 0 : i32
      %ne3A_84 = arith.cmpi ne, %rem3A_82, %ne3A_83 : i32
      %lt3A_85 = arith.constant 0 : i32
      %lt3A_86 = arith.cmpi slt, %rem3A_82, %lt3A_85 : i32
      %lt3A_87 = arith.constant 0 : i32
      %lt3A_88 = arith.cmpi slt, %select_n3A_81, %lt3A_87 : i32
      %ne3A_89 = arith.xori %lt3A_86, %lt3A_88 : i1
      %and3A_90 = arith.andi %ne3A_89, %ne3A_84 : i1
      %add3A_91 = arith.addi %rem3A_82, %select_n3A_81 : i32
      %select_n3A_92 = arith.select %and3A_90, %add3A_91, %rem3A_82 : i32
      %eq3A_93 = arith.constant 1 : i32
      %eq3A_94 = arith.cmpi eq, %select_n3A_92, %eq3A_93 : i32
      %convert_element_type3A_95 = arith.extui %eq3A_94 : i1 to i32
      %cond3A_96 = arith.constant 0 : i32
      %cond3A_97 = arith.cmpi ne, %convert_element_type3A_95, %cond3A_96 : i32
      scf.if %cond3A_97 {
        %dma_wait3A_119 = arith.constant 0 : i32
        %dma_wait3A_120 = arith.constant 0 : i32
        %dma_wait3A_121 = tpu.memref_slice %arg2[%dma_wait3A_119, %dma_wait3A_120] : memref<320000x128xf32, #tpu.memory_space<hbm>> -> memref<80x128xf32, #tpu.memory_space<hbm>>
        %dma_wait3A_122 = arith.constant 0 : i32
        %dma_wait3A_123 = arith.constant 0 : i32
        %dma_wait3A_124 = tpu.memref_slice %arg2[%dma_wait3A_122, %dma_wait3A_123] : memref<320000x128xf32, #tpu.memory_space<hbm>> -> memref<80x128xf32, #tpu.memory_space<hbm>>
        tpu.wait_dma2 semaphore(%arg12 : memref<!tpu.dma_semaphore, #tpu.memory_space<semaphore_mem>>) src(%dma_wait3A_124 : memref<80x128xf32, #tpu.memory_space<hbm>>) dst(%arg8 : memref<80x128xf32, #tpu.memory_space<vmem>>)
        "tpu.region"() ({
          %run_scoped3A = tpu.sem_alloc : memref<!tpu.dma_semaphore, #tpu.memory_space<semaphore_mem>>
          %dma_start3A_136 = arith.constant 0 : i32
          %dma_start3A_137 = tpu.memref_slice %arg6[%scan3A_64, %dma_start3A_136] : memref<125x80xi32, #tpu.memory_space<vmem>> -> memref<1x80xi32, #tpu.memory_space<vmem>>
          %dma_start3A_138 = tpu.memref_squeeze %dma_start3A_137 : memref<1x80xi32, #tpu.memory_space<vmem>> -> memref<80xi32, #tpu.memory_space<vmem>>
          %dma_start3A_139 = arith.constant 0 : i32
          %dma_start3A_140 = arith.constant 0 : i32
          %dma_start3A_141 = tpu.memref_slice %arg10[%dma_start3A_139, %dma_start3A_140] : memref<10112x128xf32, #tpu.memory_space<vmem_shared>> -> memref<10112x128xf32, #tpu.memory_space<vmem_shared>>
          tpu.enqueue_indirect_dma source(%arg8 : memref<80x128xf32, #tpu.memory_space<vmem>>) target(%dma_start3A_141 : memref<10112x128xf32, #tpu.memory_space<vmem_shared>>) offsets(%dma_start3A_138 : memref<80xi32, #tpu.memory_space<vmem>>) semaphore(%run_scoped3A : memref<!tpu.dma_semaphore, #tpu.memory_space<semaphore_mem>>) {add = true}
          %dma_wait3A_142 = arith.constant 0 : i32
          %dma_wait3A_143 = tpu.memref_slice %arg6[%scan3A_64, %dma_wait3A_142] : memref<125x80xi32, #tpu.memory_space<vmem>> -> memref<1x80xi32, #tpu.memory_space<vmem>>
          %dma_wait3A_144 = tpu.memref_squeeze %dma_wait3A_143 : memref<1x80xi32, #tpu.memory_space<vmem>> -> memref<80xi32, #tpu.memory_space<vmem>>
          %dma_wait3A_145 = arith.constant 0 : i32
          %dma_wait3A_146 = arith.constant 0 : i32
          %dma_wait3A_147 = tpu.memref_slice %arg10[%dma_wait3A_145, %dma_wait3A_146] : memref<10112x128xf32, #tpu.memory_space<vmem_shared>> -> memref<10112x128xf32, #tpu.memory_space<vmem_shared>>
          tpu.wait_indirect_dma semaphore(%run_scoped3A : memref<!tpu.dma_semaphore, #tpu.memory_space<semaphore_mem>>) src(%arg8 : memref<80x128xf32, #tpu.memory_space<vmem>>) dst(%dma_wait3A_147 : memref<10112x128xf32, #tpu.memory_space<vmem_shared>>)
          tpu.yield
        }) : () -> ()
        %add3A_125 = arith.constant 3 : i32
        %add3A_126 = arith.addi %scan3A_64, %add3A_125 : i32
        %min3A_127 = arith.constant 124 : i32
        %min3A_128 = arith.minsi %add3A_126, %min3A_127 : i32
        %mul3A_129 = arith.constant 80 : i32
        %mul3A_130 = arith.muli %min3A_128, %mul3A_129 : i32
        %add3A_131 = arith.addi %mul3A_5, %mul3A_130 : i32
        %dma_start3A_132 = arith.constant 0 : i32
        %dma_start3A_133 = tpu.memref_slice %arg2[%add3A_131, %dma_start3A_132] : memref<320000x128xf32, #tpu.memory_space<hbm>> -> memref<80x128xf32, #tpu.memory_space<hbm>>
        %dma_start3A_134 = arith.constant 0 : i32
        %dma_start3A_135 = tpu.memref_slice %arg2[%add3A_131, %dma_start3A_134] : memref<320000x128xf32, #tpu.memory_space<hbm>> -> memref<80x128xf32, #tpu.memory_space<hbm>>
        tpu.enqueue_dma source(%dma_start3A_135 : memref<80x128xf32, #tpu.memory_space<hbm>>) target(%arg8 : memref<80x128xf32, #tpu.memory_space<vmem>>) target_semaphore(%arg12 : memref<!tpu.dma_semaphore, #tpu.memory_space<semaphore_mem>>)
      } else {
      }
      %jit3A_98 = arith.constant 3 : i32
      %eq3A_99 = arith.constant 0 : i32
      %eq3A_100 = arith.cmpi eq, %jit3A_98, %eq3A_99 : i32
      %jit3A_101 = arith.constant 1 : i32
      %select_n3A_102 = arith.select %eq3A_100, %jit3A_101, %jit3A_98 : i32
      %rem3A_103 = arith.remsi %scan3A_64, %select_n3A_102 : i32
      %ne3A_104 = arith.constant 0 : i32
      %ne3A_105 = arith.cmpi ne, %rem3A_103, %ne3A_104 : i32
      %lt3A_106 = arith.constant 0 : i32
      %lt3A_107 = arith.cmpi slt, %rem3A_103, %lt3A_106 : i32
      %lt3A_108 = arith.constant 0 : i32
      %lt3A_109 = arith.cmpi slt, %select_n3A_102, %lt3A_108 : i32
      %ne3A_110 = arith.xori %lt3A_107, %lt3A_109 : i1
      %and3A_111 = arith.andi %ne3A_110, %ne3A_105 : i1
      %add3A_112 = arith.addi %rem3A_103, %select_n3A_102 : i32
      %select_n3A_113 = arith.select %and3A_111, %add3A_112, %rem3A_103 : i32
      %eq3A_114 = arith.constant 2 : i32
      %eq3A_115 = arith.cmpi eq, %select_n3A_113, %eq3A_114 : i32
      %convert_element_type3A_116 = arith.extui %eq3A_115 : i1 to i32
      %cond3A_117 = arith.constant 0 : i32
      %cond3A_118 = arith.cmpi ne, %convert_element_type3A_116, %cond3A_117 : i32
      scf.if %cond3A_118 {
        %dma_wait3A_119 = arith.constant 0 : i32
        %dma_wait3A_120 = arith.constant 0 : i32
        %dma_wait3A_121 = tpu.memref_slice %arg2[%dma_wait3A_119, %dma_wait3A_120] : memref<320000x128xf32, #tpu.memory_space<hbm>> -> memref<80x128xf32, #tpu.memory_space<hbm>>
        %dma_wait3A_122 = arith.constant 0 : i32
        %dma_wait3A_123 = arith.constant 0 : i32
        %dma_wait3A_124 = tpu.memref_slice %arg2[%dma_wait3A_122, %dma_wait3A_123] : memref<320000x128xf32, #tpu.memory_space<hbm>> -> memref<80x128xf32, #tpu.memory_space<hbm>>
        tpu.wait_dma2 semaphore(%arg13 : memref<!tpu.dma_semaphore, #tpu.memory_space<semaphore_mem>>) src(%dma_wait3A_124 : memref<80x128xf32, #tpu.memory_space<hbm>>) dst(%arg9 : memref<80x128xf32, #tpu.memory_space<vmem>>)
        "tpu.region"() ({
          %run_scoped3A = tpu.sem_alloc : memref<!tpu.dma_semaphore, #tpu.memory_space<semaphore_mem>>
          %dma_start3A_136 = arith.constant 0 : i32
          %dma_start3A_137 = tpu.memref_slice %arg6[%scan3A_64, %dma_start3A_136] : memref<125x80xi32, #tpu.memory_space<vmem>> -> memref<1x80xi32, #tpu.memory_space<vmem>>
          %dma_start3A_138 = tpu.memref_squeeze %dma_start3A_137 : memref<1x80xi32, #tpu.memory_space<vmem>> -> memref<80xi32, #tpu.memory_space<vmem>>
          %dma_start3A_139 = arith.constant 0 : i32
          %dma_start3A_140 = arith.constant 0 : i32
          %dma_start3A_141 = tpu.memref_slice %arg10[%dma_start3A_139, %dma_start3A_140] : memref<10112x128xf32, #tpu.memory_space<vmem_shared>> -> memref<10112x128xf32, #tpu.memory_space<vmem_shared>>
          tpu.enqueue_indirect_dma source(%arg9 : memref<80x128xf32, #tpu.memory_space<vmem>>) target(%dma_start3A_141 : memref<10112x128xf32, #tpu.memory_space<vmem_shared>>) offsets(%dma_start3A_138 : memref<80xi32, #tpu.memory_space<vmem>>) semaphore(%run_scoped3A : memref<!tpu.dma_semaphore, #tpu.memory_space<semaphore_mem>>) {add = true}
          %dma_wait3A_142 = arith.constant 0 : i32
          %dma_wait3A_143 = tpu.memref_slice %arg6[%scan3A_64, %dma_wait3A_142] : memref<125x80xi32, #tpu.memory_space<vmem>> -> memref<1x80xi32, #tpu.memory_space<vmem>>
          %dma_wait3A_144 = tpu.memref_squeeze %dma_wait3A_143 : memref<1x80xi32, #tpu.memory_space<vmem>> -> memref<80xi32, #tpu.memory_space<vmem>>
          %dma_wait3A_145 = arith.constant 0 : i32
          %dma_wait3A_146 = arith.constant 0 : i32
          %dma_wait3A_147 = tpu.memref_slice %arg10[%dma_wait3A_145, %dma_wait3A_146] : memref<10112x128xf32, #tpu.memory_space<vmem_shared>> -> memref<10112x128xf32, #tpu.memory_space<vmem_shared>>
          tpu.wait_indirect_dma semaphore(%run_scoped3A : memref<!tpu.dma_semaphore, #tpu.memory_space<semaphore_mem>>) src(%arg9 : memref<80x128xf32, #tpu.memory_space<vmem>>) dst(%dma_wait3A_147 : memref<10112x128xf32, #tpu.memory_space<vmem_shared>>)
          tpu.yield
        }) : () -> ()
        %add3A_125 = arith.constant 3 : i32
        %add3A_126 = arith.addi %scan3A_64, %add3A_125 : i32
        %min3A_127 = arith.constant 124 : i32
        %min3A_128 = arith.minsi %add3A_126, %min3A_127 : i32
        %mul3A_129 = arith.constant 80 : i32
        %mul3A_130 = arith.muli %min3A_128, %mul3A_129 : i32
        %add3A_131 = arith.addi %mul3A_5, %mul3A_130 : i32
        %dma_start3A_132 = arith.constant 0 : i32
        %dma_start3A_133 = tpu.memref_slice %arg2[%add3A_131, %dma_start3A_132] : memref<320000x128xf32, #tpu.memory_space<hbm>> -> memref<80x128xf32, #tpu.memory_space<hbm>>
        %dma_start3A_134 = arith.constant 0 : i32
        %dma_start3A_135 = tpu.memref_slice %arg2[%add3A_131, %dma_start3A_134] : memref<320000x128xf32, #tpu.memory_space<hbm>> -> memref<80x128xf32, #tpu.memory_space<hbm>>
        tpu.enqueue_dma source(%dma_start3A_135 : memref<80x128xf32, #tpu.memory_space<hbm>>) target(%arg9 : memref<80x128xf32, #tpu.memory_space<vmem>>) target_semaphore(%arg13 : memref<!tpu.dma_semaphore, #tpu.memory_space<semaphore_mem>>)
      } else {
      }
    }
    %scan3A_40 = arith.constant 125 : i32
    %dma_wait3A_41 = arith.constant 0 : i32
    %dma_wait3A_42 = arith.constant 0 : i32
    %dma_wait3A_43 = tpu.memref_slice %arg2[%dma_wait3A_41, %dma_wait3A_42] : memref<320000x128xf32, #tpu.memory_space<hbm>> -> memref<80x128xf32, #tpu.memory_space<hbm>>
    %dma_wait3A_44 = arith.constant 0 : i32
    %dma_wait3A_45 = arith.constant 0 : i32
    %dma_wait3A_46 = tpu.memref_slice %arg2[%dma_wait3A_44, %dma_wait3A_45] : memref<320000x128xf32, #tpu.memory_space<hbm>> -> memref<80x128xf32, #tpu.memory_space<hbm>>
    tpu.wait_dma2 semaphore(%arg11 : memref<!tpu.dma_semaphore, #tpu.memory_space<semaphore_mem>>) src(%dma_wait3A_46 : memref<80x128xf32, #tpu.memory_space<hbm>>) dst(%arg7 : memref<80x128xf32, #tpu.memory_space<vmem>>)
    %dma_wait3A_47 = arith.constant 0 : i32
    %dma_wait3A_48 = arith.constant 0 : i32
    %dma_wait3A_49 = tpu.memref_slice %arg2[%dma_wait3A_47, %dma_wait3A_48] : memref<320000x128xf32, #tpu.memory_space<hbm>> -> memref<80x128xf32, #tpu.memory_space<hbm>>
    %dma_wait3A_50 = arith.constant 0 : i32
    %dma_wait3A_51 = arith.constant 0 : i32
    %dma_wait3A_52 = tpu.memref_slice %arg2[%dma_wait3A_50, %dma_wait3A_51] : memref<320000x128xf32, #tpu.memory_space<hbm>> -> memref<80x128xf32, #tpu.memory_space<hbm>>
    tpu.wait_dma2 semaphore(%arg12 : memref<!tpu.dma_semaphore, #tpu.memory_space<semaphore_mem>>) src(%dma_wait3A_52 : memref<80x128xf32, #tpu.memory_space<hbm>>) dst(%arg8 : memref<80x128xf32, #tpu.memory_space<vmem>>)
    %dma_wait3A_53 = arith.constant 0 : i32
    %dma_wait3A_54 = arith.constant 0 : i32
    %dma_wait3A_55 = tpu.memref_slice %arg2[%dma_wait3A_53, %dma_wait3A_54] : memref<320000x128xf32, #tpu.memory_space<hbm>> -> memref<80x128xf32, #tpu.memory_space<hbm>>
    %dma_wait3A_56 = arith.constant 0 : i32
    %dma_wait3A_57 = arith.constant 0 : i32
    %dma_wait3A_58 = tpu.memref_slice %arg2[%dma_wait3A_56, %dma_wait3A_57] : memref<320000x128xf32, #tpu.memory_space<hbm>> -> memref<80x128xf32, #tpu.memory_space<hbm>>
    tpu.wait_dma2 semaphore(%arg13 : memref<!tpu.dma_semaphore, #tpu.memory_space<semaphore_mem>>) src(%dma_wait3A_58 : memref<80x128xf32, #tpu.memory_space<hbm>>) dst(%arg9 : memref<80x128xf32, #tpu.memory_space<vmem>>)
    %barrier3A_59 = arith.constant 0 : index
    tpu.barrier barrier_id(%barrier3A_59)
    %mul3A_60 = arith.constant 632 : i32
    %mul3A_61 = arith.muli %arg1, %mul3A_60 : i32
    %mul3A_62 = arith.constant 632 : i32
    %mul3A_63 = arith.muli %arg1, %mul3A_62 : i32
    "tpu.region"() ({
      %run_scoped3A = tpu.sem_alloc : memref<!tpu.dma_semaphore, #tpu.memory_space<semaphore_mem>>
      %dma_start3A_64 = arith.constant 0 : i32
      %dma_start3A_65 = tpu.memref_slice %arg5[%arg0, %mul3A_63, %dma_start3A_64] : memref<2x10112x128xf32, #tpu.memory_space<hbm>> -> memref<1x632x128xf32, #tpu.memory_space<hbm>>
      %dma_start3A_66 = tpu.memref_squeeze %dma_start3A_65 : memref<1x632x128xf32, #tpu.memory_space<hbm>> -> memref<632x128xf32, #tpu.memory_space<hbm>>
      %dma_start3A_67 = arith.constant 0 : i32
      %dma_start3A_68 = tpu.memref_slice %arg10[%mul3A_61, %dma_start3A_67] : memref<10112x128xf32, #tpu.memory_space<vmem_shared>> -> memref<632x128xf32, #tpu.memory_space<vmem_shared>>
      tpu.enqueue_dma source(%dma_start3A_68 : memref<632x128xf32, #tpu.memory_space<vmem_shared>>) target(%dma_start3A_66 : memref<632x128xf32, #tpu.memory_space<hbm>>) target_semaphore(%run_scoped3A : memref<!tpu.dma_semaphore, #tpu.memory_space<semaphore_mem>>)
      %dma_wait3A_69 = arith.constant 0 : i32
      %dma_wait3A_70 = tpu.memref_slice %arg5[%arg0, %mul3A_63, %dma_wait3A_69] : memref<2x10112x128xf32, #tpu.memory_space<hbm>> -> memref<1x632x128xf32, #tpu.memory_space<hbm>>
      %dma_wait3A_71 = tpu.memref_squeeze %dma_wait3A_70 : memref<1x632x128xf32, #tpu.memory_space<hbm>> -> memref<632x128xf32, #tpu.memory_space<hbm>>
      %dma_wait3A_72 = arith.constant 0 : i32
      %dma_wait3A_73 = tpu.memref_slice %arg10[%mul3A_61, %dma_wait3A_72] : memref<10112x128xf32, #tpu.memory_space<vmem_shared>> -> memref<632x128xf32, #tpu.memory_space<vmem_shared>>
      tpu.wait_dma2 semaphore(%run_scoped3A : memref<!tpu.dma_semaphore, #tpu.memory_space<semaphore_mem>>) src(%dma_wait3A_73 : memref<632x128xf32, #tpu.memory_space<vmem_shared>>) dst(%dma_wait3A_71 : memref<632x128xf32, #tpu.memory_space<hbm>>)
      tpu.yield
    }) : () -> ()
    return
  }
}

module attributes {stable_mosaic.version = 14 : i64} {
  func.func @body(%arg0: i32, %arg1: memref<5000x128xf32, #tpu.memory_space<vmem>>, %arg2: memref<2x5000x128xf32, #tpu.memory_space<vmem>>, %arg3: memref<256x128xf32, #tpu.memory_space<vmem>>, %arg4: memref<5000x128xf32, #tpu.memory_space<vmem>>) attributes {dimension_semantics = [#tpu.dimension_semantics<arbitrary>], iteration_bounds = array<i64: 2>, scalar_prefetch = 0 : i64, scratch_operands = 0 : i64, tpu.core_type = #tpu.core_type<tc>, window_params = [{transform_indices = @transform_0, window_bounds = array<i64: 5000, 128>}, {transform_indices = @transform_1, window_bounds = array<i64: 2, 5000, 128>}, {pipeline_mode = #tpu.pipeline_mode<synchronous>, transform_indices = @transform_2, window_bounds = array<i64: 256, 128>}, {transform_indices = @transform_3, window_bounds = array<i64: 5000, 128>}]} {
    %get3A = arith.constant 0 : index
    %get3A_0 = arith.constant 0 : index
    %get3A_1 = vector.load %arg3[%get3A, %get3A_0] : memref<256x128xf32, #tpu.memory_space<vmem>>, vector<256x128xf32>
    %get3A_2 = arith.constant 0 : index
    %get3A_3 = arith.constant 0 : index
    %get3A_4 = arith.constant 0 : index
    %get3A_5 = vector.load %arg2[%get3A_2, %get3A_3, %get3A_4] : memref<2x5000x128xf32, #tpu.memory_space<vmem>>, vector<1x5000x128xf32>
    %get3A_6 = vector.shape_cast %get3A_5 : vector<1x5000x128xf32> to vector<5000x128xf32>
    %get3A_7 = arith.constant 1 : index
    %get3A_8 = arith.constant 0 : index
    %get3A_9 = arith.constant 0 : index
    %get3A_10 = vector.load %arg2[%get3A_7, %get3A_8, %get3A_9] : memref<2x5000x128xf32, #tpu.memory_space<vmem>>, vector<1x5000x128xf32>
    %get3A_11 = vector.shape_cast %get3A_10 : vector<1x5000x128xf32> to vector<5000x128xf32>
    %add3A = arith.addf %get3A_6, %get3A_11 : vector<5000x128xf32>
    %get3A_12 = arith.constant 0 : index
    %get3A_13 = arith.constant 0 : index
    %get3A_14 = vector.load %arg1[%get3A_12, %get3A_13] : memref<5000x128xf32, #tpu.memory_space<vmem>>, vector<5000x128xf32>
    %slice3A = vector.extract_strided_slice %get3A_1 {offsets = [0, 0], sizes = [128, 128], strides = [1, 1]} : vector<256x128xf32> to vector<128x128xf32>
    %dot_general3A = arith.constant dense<0.000000e+00> : vector<5000x128xf32>
    %dot_general3A_15 = tpu.matmul %get3A_14, %slice3A, %dot_general3A {dimension_numbers = #tpu.dot_dimension_numbers<[1], [0], [0], [1], [0, 0, 1, 1], [], []>, transpose_lhs_hint = false} : vector<5000x128xf32>, vector<128x128xf32>, vector<5000x128xf32> -> vector<5000x128xf32>
    %slice3A_16 = vector.extract_strided_slice %get3A_1 {offsets = [128, 0], sizes = [128, 128], strides = [1, 1]} : vector<256x128xf32> to vector<128x128xf32>
    %dot_general3A_17 = arith.constant dense<0.000000e+00> : vector<5000x128xf32>
    %dot_general3A_18 = tpu.matmul %add3A, %slice3A_16, %dot_general3A_17 {dimension_numbers = #tpu.dot_dimension_numbers<[1], [0], [0], [1], [0, 0, 1, 1], [], []>, transpose_lhs_hint = false} : vector<5000x128xf32>, vector<128x128xf32>, vector<5000x128xf32> -> vector<5000x128xf32>
    %add3A_19 = arith.addf %dot_general3A_15, %dot_general3A_18 : vector<5000x128xf32>
    %max3A = arith.constant 0.000000e+00 : f32
    %max3A_20 = vector.broadcast %max3A : f32 to vector<5000x128xf32>
    %max3A_21 = arith.maximumf %add3A_19, %max3A_20 : vector<5000x128xf32>
    %swap3A = arith.constant 0 : index
    %swap3A_22 = arith.constant 0 : index
    %swap3A_23 = vector.load %arg4[%swap3A, %swap3A_22] : memref<5000x128xf32, #tpu.memory_space<vmem>>, vector<5000x128xf32>
    tpu.vector_store %arg4[%swap3A, %swap3A_22], %max3A_21 {strides = array<i32>} : memref<5000x128xf32, #tpu.memory_space<vmem>>, vector<5000x128xf32>,
    return
  }
  func.func @transform_0(%arg0: i32) -> (i32, i32) {
    %c0_i32 = arith.constant 0 : i32
    %c0_i32_0 = arith.constant 0 : i32
    return %arg0, %c0_i32 : i32, i32
  }
  func.func @transform_1(%arg0: i32) -> (i32, i32, i32) {
    %c0_i32 = arith.constant 0 : i32
    %c0_i32_0 = arith.constant 0 : i32
    %c0_i32_1 = arith.constant 0 : i32
    return %c0_i32, %arg0, %c0_i32_0 : i32, i32, i32
  }
  func.func @transform_2(%arg0: i32) -> (i32, i32) {
    %c0_i32 = arith.constant 0 : i32
    %c0_i32_0 = arith.constant 0 : i32
    %c0_i32_1 = arith.constant 0 : i32
    return %c0_i32, %c0_i32_0 : i32, i32
  }
  func.func @transform_3(%arg0: i32) -> (i32, i32) {
    %c0_i32 = arith.constant 0 : i32
    %c0_i32_0 = arith.constant 0 : i32
    return %arg0, %c0_i32 : i32, i32
  }
}

</mosaic_0001>

<sc_bundles>
// kernel: kernel.4.cloned.1.call-start
scs
__scs_entry_jumppad:
0x0: {  	(pc) =	sbr.rel $0x88, $3  }
0x1: {  	(tag) =	ssettag $0x0;
	lr =	simm.s32 $0x1  }
0x2: {  	[smem:$0x3F9D] =	sst lr;
	_ =	strace $0xD0000000  }
0x3: {  	_ = 	snop  }
0x4: {  	_ = 	snop  }
0x5: {  	_ = 	snop  }
0x6: {  	_ = 	snop  }
0x7: {  	_ = 	snop  }
__scs_overlays_trampoline_lowered:
0x8: {  	[smem:$0x3FAC] =	sst s0  }
0x9: {  	[smem:$0x3FAD] =	sst s1  }
0xa: {  	[smem:$0x3FAE] =	sst s2  }
0xb: {  	[smem:$0x3FAF] =	sst s3  }
0xc: {  	[smem:$0x3FB0] =	sst s4  }
0xd: {  	[smem:$0x3FB1] =	sst s5  }
0xe: {  	[smem:$0x3FB2] =	sst s6  }
0xf: {  	[smem:$0x3FB3] =	sst s7  }
0x10: {  	[smem:$0x3FB4] =	sst s8  }
0x11: {  	[smem:$0x3FB5] =	sst s9;
	s0 =	simm.s32 @!p0 $0x0  }
0x12: {  	s1 =	sld [smem:$0x3F9B];
	s0 =	simm.s32 @p0 $0x1  }
0x13: {  	[smem:$0x3FB6] =	sst s0;
	s0 =	simm.s32 @!p1 $0x0  }
0x14: {  	s2 =	sld [smem:$0x3F9A];
	s0 =	simm.s32 @p1 $0x1  }
0x15: {  	[smem:$0x3FB7] =	sst s0;
	s0 =	simm.s32 @!p2 $0x0  }
0x16: {  	s3 =	sld [smem:$0x3FDB];
	s0 =	simm.s32 @p2 $0x1  }
0x17: {  	s4 =	simm.s32 $0x1BF5;
	[smem:$0x3FB9] =	sst s0  }
0x18: {  	s0 =	sld [smem:$0x3F9C];
	_ =	swait.ge [sflag:s4], $0x0  }
0x19: {  	s7 =	sld [smem:$0x3F9D]  }
0x1a: {  	s8 =	sadd.s32 $0xFFFFE003, lr  }
0x1b: {  	s9 =	sadd.s32 $0xFFFFFEF7, lr;
	s5 =	simm.s32 $0xFFFFFFFF;
	p2 =	slt.u32 s8, $0xFFFFF086  }
0x1c: {  	p1 =	slt.u32 s9, $0xF7A;
	s5 =	simm.s32 @!p2 $0x0  }
0x1d: {  	s5 =	simm.s32 @p1 $0x1;
	p0 =	seq.s32 s7, s2  }
0x1e: {  	s7 =	smul.u32 @!p0 $0xF7A, s2;
	p2 =	seq.s32 @!p0 s5, $0x0  }
0x1f: {  	s9 =	smul.u32 $0xF7A, s1;
	s8 =	simm.s32 @!p0 $0x1BF5;
	p2 =	por !p2, p0  }
0x20: {  	[sflag:s8] =	ssyncset.s32 @!p0 $0xFFFFF086;
	s6 =	sadd.s32 @!p0 s3, s7;
	s7 =	simm.s32 @!p0 $0x108  }
0x21: {  	s3 =	sadd.s32 s3, s9;
	s6 =	sadd.s32 @!p0 $0x88, s6;
	s7 =	simm.s32 @p2 $0x1082  }
0x22: {  	[simem:s7], [sflag:s8] =	dma.local @!p0 [hbm:s6], $0xF7A  }
0x23: {  	s9 =	sor.u32 $0xD0000000, s2;
	s6 =	simm.s32 $0x108;
	_ =	swait.ge @!p0 [sflag:s8], $0x0  }
0x24: {  	s3 =	sadd.s32 $0x88, s3;
	s6 =	simm.s32 @!p1 $0x1082;
	[sflag:s4] =	ssyncset.s32 $0xFFFFF086  }
0x25: {  	[simem:s6], [sflag:s4] =	dma.local [hbm:s3], $0xF7A  }
0x26: {  	[smem:$0x3F9D] =	sst s1;
	(tag) =	ssettag s2;
	_ =	strace s9  }
0x27: {  	s1 =	sld [smem:$0x3FAD]  }
0x28: {  	s2 =	sld [smem:$0x3FAE]  }
0x29: {  	s4 =	sld [smem:$0x3FB0]  }
0x2a: {  	p0 =	seq.s32 s5, $0x0;
	s5 =	sld [smem:$0x3FB1]  }
0x2b: {  	s6 =	sld [smem:$0x3FB2]  }
0x2c: {  	s7 =	sld [smem:$0x3FB3]  }
0x2d: {  	s3 =	simm.s32 $0x108;
	s8 =	sld [smem:$0x3FB4]  }
0x2e: {  	s3 =	simm.s32 @!p0 $0x1082;
	s9 =	sld [smem:$0x3FB5]  }
0x2f: {  	lr =	sadd.s32 s0, s3;
	s0 =	sld [smem:$0x3FAC]  }
0x30: {  	s3 =	sld [smem:$0x3FAF]  }
0x31: {  	[smem:$0x3FB8] =	sst s10  }
0x32: {  	s10 =	sld [smem:$0x3FB6];
	_ =	sdelay $0x3  }
0x33: {  	p0 =	seq.s32 s10, $0x1;
	s10 =	sld [smem:$0x3FB8];
	_ =	sdelay $0x3  }
0x34: {  	[smem:$0x3FB8] =	sst s10  }
0x35: {  	s10 =	sld [smem:$0x3FB7];
	_ =	sdelay $0x3  }
0x36: {  	p1 =	seq.s32 s10, $0x1;
	s10 =	sld [smem:$0x3FB8];
	_ =	sdelay $0x3  }
0x37: {  	[smem:$0x3FB8] =	sst s10  }
0x38: {  	s10 =	sld [smem:$0x3FB9]  }
0x39: {  	_ = 	snop;
	(pc) =	sbr.ind lr, $3  }
0x3a: {  	_ = 	snop  }
0x3b: {  	_ = 	snop  }
0x3c: {  	p2 =	seq.s32 s10, $0x1;
	s10 =	sld [smem:$0x3FB8]  }
0x3d: {  	_ =	shalt  }
0x3e: {  	_ =	shalt  }
0x3f: {  	_ =	shalt  }
0x40: {  	_ =	shalt  }
0x41: {  	_ =	shalt  }
0x42: {  	_ =	shalt  }
0x43: {  	_ =	shalt  }
0x44: {  	_ =	shalt  }
0x45: {  	_ =	shalt  }
0x46: {  	_ =	shalt  }
0x47: {  	_ =	shalt  }
0x48: {  	_ =	shalt  }
0x49: {  	_ =	shalt  }
0x4a: {  	_ =	shalt  }
0x4b: {  	_ =	shalt  }
0x4c: {  	_ =	shalt  }
0x4d: {  	_ =	shalt  }
0x4e: {  	_ =	shalt  }
0x4f: {  	_ =	shalt  }
0x50: {  	_ =	shalt  }
0x51: {  	_ =	shalt  }
0x52: {  	_ =	shalt  }
0x53: {  	_ =	shalt  }
0x54: {  	_ =	shalt  }
0x55: {  	_ =	shalt  }
0x56: {  	_ =	shalt  }
0x57: {  	_ =	shalt  }
0x58: {  	_ =	shalt  }
0x59: {  	_ =	shalt  }
0x5a: {  	_ =	shalt  }
0x5b: {  	_ =	shalt  }
0x5c: {  	_ =	shalt  }
0x5d: {  	_ =	shalt  }
0x5e: {  	_ =	shalt  }
0x5f: {  	_ =	shalt  }
0x60: {  	_ =	shalt  }
0x61: {  	_ =	shalt  }
0x62: {  	_ =	shalt  }
0x63: {  	_ =	shalt  }
0x64: {  	_ =	shalt  }
0x65: {  	_ =	shalt  }
0x66: {  	_ =	shalt  }
0x67: {  	_ =	shalt  }
0x68: {  	_ =	shalt  }
0x69: {  	_ =	shalt  }
0x6a: {  	_ =	shalt  }
0x6b: {  	_ =	shalt  }
0x6c: {  	_ =	shalt  }
0x6d: {  	_ =	shalt  }
0x6e: {  	_ =	shalt  }
0x6f: {  	_ =	shalt  }
0x70: {  	_ =	shalt  }
0x71: {  	_ =	shalt  }
0x72: {  	_ =	shalt  }
0x73: {  	_ =	shalt  }
0x74: {  	_ =	shalt  }
0x75: {  	_ =	shalt  }
0x76: {  	_ =	shalt  }
0x77: {  	_ =	shalt  }
0x78: {  	_ =	shalt  }
0x79: {  	_ =	shalt  }
0x7a: {  	_ =	shalt  }
0x7b: {  	_ =	shalt  }
0x7c: {  	_ =	shalt  }
0x7d: {  	_ =	shalt  }
0x7e: {  	_ =	shalt  }
0x7f: {  	_ =	shalt  }
0x80: {  	_ =	shalt  }
0x81: {  	_ =	shalt  }
0x82: {  	_ =	shalt  }
0x83: {  	_ =	shalt  }
0x84: {  	_ =	shalt  }
0x85: {  	_ =	shalt  }
0x86: {  	_ =	shalt  }
0x87: {  	_ =	shalt  }
.Lfunc_end0:
.L_simem_size_0:
called_computation_lowered:
.L_overlay_start_0:
0x88: {  	s2 =	sld [smem:$0x3FD9]  }
0x89: {  	s3 =	sld [smem:$0x3FFE];
	_ =	sdelay $0x1  }
0x8a: {  	s1 =	srdreg.scid  }
0x8b: {  	s0 =	sand.u32 $0x1, s1  }
0x8c: {  	s17 =	sshll.u32 s0, $0xA;
	s2 =	sadd.s32 s3, s2  }
0x8d: {  	s2 =	sadd.s32 s2, s17  }
0x8e: {  	[smem:$0x3FC4] =	sst s2  }
0x8f: {  	_ = 	snop  }
0x90: {  	s2 =	sld [smem:$0x3FC8]  }
0x91: {  	s18 =	sld [smem:$0x3FD0];
	(tm) =	ssettm $0x1  }
0x92: {  	s4 =	sld [smem:$0x3FFB];
	_ =	sdelay $0x3  }
0x93: {  	_ =	strace s4  }
0x94: {  	s4 =	sld [smem:$0x3FFC];
	_ =	sdelay $0x3  }
0x95: {  	_ =	strace s4  }
0x96: {  	s4 =	sld [smem:$0x3FFD];
	_ =	sdelay $0x3  }
0x97: {  	_ =	strace s4  }
0x98: {  	_ =	strace $0x8FFFFFFF  }
0x99: {  	s19 =	sld [smem:$0x3FDB];
	_ =	sdelay $0x1  }
0x9a: {  	s5 =	simm.s32 $_scs_section_size  }
0x9b: {  	s6 =	simm.s32 $_size__tile_overlayer_lowered;
	s7 =	simm.s32 $_tile_overlayer_lowered  }
0x9c: {  	s22 =	simm.s32 $0x1BFF;
	s21 =	sshll.u32 s7, $0x1;
	s4 =	sadd.s32 s5, s19  }
0x9d: {  	s8 =	simm.s32 $0x0;
	s20 =	sshll.u32 s6, $0x1;
	s6 =	sadd.s32 s21, s4  }
0x9e: {  	[timem:s8], [sflag:s22] =	dma.local [hbm:s6], s20  }
0x9f: {  	_ =	swait.ge [sflag:s22], s20  }
0xa0: {  	s5 =	ssub.s32 $0x0, s20;
	[sflag:s22] =	ssyncset.done $0x0  }
0xa1: {  	[sflag:s22] =	ssyncadd.s32 s5;
	_ =	sdelay $0x1  }
0xa2: {  	s23 =	simm.s32 $0x1B8B  }
0xa3: {  	_ =	swait.ge [sflag:s23], $0x1  }
0xa4: {  	[sflag:s23] =	ssyncset.done $0x0  }
0xa5: {  	s25 =	simm.s32 $0x1B8E;
	s24 =	sld [smem:$0x3FFE];
	[sflag:s23] =	ssyncadd.s32 $0xFFFFFFFF  }
0xa6: {  	s26 =	simm.s32 $execute0_lowered;
	[smem:$0x3FD2] =	sst s25  }
0xa7: {  	s6 =	sshll.u32 s26, $0x1;
	_ =	strace $0x80000046;
	[dreg:$0x1] =	wrdreg $0xFFFFFFFF  }
0xa8: {  	s28 =	simm.s32 $_size_execute0_lowered;
	s4 =	sadd.s32 s4, s6;
	[dreg:$0x0] =	wrdreg $0x0  }
0xa9: {  	s6 =	sshll.u32 s28, $0x1;
	[dreg:$0x2] =	wrdreg s4  }
0xaa: {  	[dreg:$0x3] =	wrdreg s6  }
0xab: {  	[dreg:$0x4] =	wrdreg $0xC0  }
0xac: {  	_ =	task [dreg:s8], $0x5FFFF  }
0xad: {  	[dreg:$0x1] =	wrdreg $0xFFFFFFFF  }
0xae: {  	[dreg:$0x0] =	wrdreg $0x60  }
0xaf: {  	[dreg:$0x2] =	wrdreg s2  }
0xb0: {  	[dreg:$0x3] =	wrdreg s18  }
0xb1: {  	[dreg:$0x4] =	wrdreg s24  }
0xb2: {  	[dreg:$0x5] =	wrdreg $0xB8000  }
0xb3: {  	[dreg:$0x6] =	wrdreg $0x9  }
0xb4: {  	_ =	task.clear_ibuf [dreg:s8], $0x7FFFF;
	_ =	strace $0x90000046  }
0xb5: {  	s29 =	simm.s32 $0x9;
	_ =	strace $0x80000048  }
0xb6: {  	_ =	swait.ge [sflag:s29], $0x1  }
0xb7: {  	[sflag:s29] =	ssyncadd.s32 $0xFFFFFFFF  }
0xb8: {  	_ =	strace $0x90000048  }
0xb9: {  	_ =	sfence  }
0xba: {  	s30 =	sld [smem:$0x0];
	_ =	sdelay $0x2  }
0xbb: {  	s31 =	sshll.u32 s1, $0xD;
	s1 =	sshrl.u32 s1, $0x2  }
0xbc: {  	s3 =	sand.u32 $0x4000, s31;
	s1 =	sadd.s32 s1, s30  }
0xbd: {  	s0 =	sor.u32 s3, s0;
	s1 =	sshll.u32 s1, $0x11  }
0xbe: {  	s0 =	sor.u32 s1, s0  }
0xbf: {  	s0 =	sadd.s32 $0x8F2B, s0  }
0xc0: {  	[sflag:s0] =	ssyncadd.remote.s32 $0x1  }
0xc1: {  	_ =	sfence.sel $0xFFFF  }
0xc2: {  	[dreg:$0x0] =	wrdreg $0xFFFFFFFF;
	(pc) =	sbr.abs _section_cstart, $3  }
0xc3: {  	[dreg:$0x1] =	wrdreg $0xFFFFFFFF  }
0xc4: {  	_ =	task.clear_ibuf [dreg:s8], $0x2FFFF;
	_ =	strace $0x9FFFFFFF  }
0xc5: {  	(tm) =	ssettm $0x7FFFFFFF  }
tec
execute0_lowered:
.L_overlay_start_1:
0x0: {  	(tag) =	ssettag $0x1  }
0x1: {  	s0 =	rddreg [dreg:$0x0]  }
0x2: {  	s7 =	rddreg [dreg:$0x1]  }
0x3: {  	s6 =	rddreg [dreg:$0x2]  }
0x4: {  	s1 =	srdreg.scid;
	s3 =	rddreg [dreg:$0x3]  }
0x5: {  	s2 =	rddreg [dreg:$0x4];
	s4 =	simm.s32 $0x0;
	s16 =	simm.s32 $0x4000  }
0x6: {  	s17 =	simm.s32 $0x6800;
	s18 =	simm.s32 $0x9000;
	s19 =	simm.s32 $0x4  }
0x7: {  	s20 =	simm.s32 $0x3;
	s21 =	simm.s32 $0x50;
	s22 =	simm.s32 $0x1  }
0x8: {  	s23 =	simm.s32 $0x2;
	s8 =	sand.u32 $0x1, s1;
	s1 =	stileid.u32  }
0x9: {  	s25 =	simm.s32 $0x0;
	[smem:$0x7FF] =	sst s4;
	s5 =	smul.u32 $0x13C000, s8  }
0xa: {  	s9 =	smul.u32 $0x13C00, s1;
	_ =	strace $0x80000047;
	s10 =	ssub.s32 $0x2, s8  }
0xb: {  	s11 =	sshll.u32 s1, $0x1;
	s12 =	smul.u32 $0x4F000, s1;
	s24 =	sshll.u32 s1, $0x6  }
0xc: {  	s26 =	sshrl.u32 s10, $0x1;
	s8 =	sor.u32 s8, s11;
	s9 =	sadd.s32 s9, s5  }
0xd: {  	s5 =	sadd.s32 $0x600, s6;
	s28 =	sshrl.u32 s12, $0x2;
	s11 =	smul.u32 $0x138800, s8  }
0xe: {  	s14 =	ssub.s32 s10, s26;
	s29 =	sshll.u32 s8, $0xB;
	s30 =	smul.u32 $0x27100, s8  }
0xf: {  	s31 =	smul.u32 $0x2710, s8;
	s9 =	sshrl.u32 s9, $0x3;
	s15 =	sadd.s32 s28, s3  }
.Ltmp0:
0x10: {  	s7 =	sadd.s32 s7, s29;
	s13 =	sadd.s32 s9, s6;
	(pc) =	sbr.rel .LBB2_1-.Ltmp0, $4  }
0x11: {  	s6 =	sor.u32 $0x1C04, s24;
	s11 =	sshrl.u32 s11, $0x3;
	s8 =	sadd.s32 s0, s30  }
0x12: {  	s24 =	sor.u32 $0x1C05, s24;
	s11 =	sadd.s32 s0, s11;
	s12 =	sadd.s32 $0x2E00, s13  }
0x13: {  	s13 =	smax.u32 s14, $0x1;
	s14 =	sshrl.u32 s15, $0x3;
	s15 =	simm.s32 $0x5  }
0x14: {  	s9 =	sadd.s32 $0x500, s11;
	s10 =	sadd.s32 $0xA00, s11;
	s11 =	sadd.s32 $0xF0, s31  }
.LBB2_6:
0x15: {  	_ =	swait.ge [sflag:s22], $0x2800  }
0x16: {  	[sflag:s22] =	ssyncset.done $0x0  }
0x17: {  	[sflag:s22] =	ssyncadd.s32 $0xFFFFD800  }
0x18: {  	_ =	swait.ge [sflag:s23], $0x2800  }
0x19: {  	[sflag:s23] =	ssyncset.done $0x0  }
0x1a: {  	[sflag:s23] =	ssyncadd.s32 $0xFFFFD800  }
0x1b: {  	_ =	swait.ge [sflag:s20], $0x2800  }
0x1c: {  	s25 =	sadd.s32 $0x1, s25;
	[sflag:s20] =	ssyncset.done $0x0  }
0x1d: {  	p0 =	sne.s32 s25, s13;
	[sflag:s20] =	ssyncadd.s32 $0xFFFFD800  }
.Ltmp1:
0x1e: {  	[bflag:$0x0] =	sbarrier.arrive $0xFFFF;
	(pc) =	sbr.rel @!p0 .LBB2_7-.Ltmp1, $4  }
0x1f: {  	[hbm:s12], [sflag:s24] =	dma.local [spmem:s14], $0x2780  }
0x20: {  	_ =	swait.ge [sflag:s15], $0x2780  }
0x21: {  	[sflag:s15] =	ssyncset.done $0x0  }
0x22: {  	[sflag:s15] =	ssyncadd.s32 $0xFFFFD880  }
.LBB2_1:
0x23: {  	[spmem:s14], [sflag:s6] =	dma.local [hbm:s5], $0x2780  }
0x24: {  	[tilespmem:s4], [sflag:$0x5] =	stream.linear.gather [hbm4b:s7+s4], $0x3E80, $0x38;
	[tilespmem:$0x1F400] =	vst v63  }
0x25: {  	_ =	swait.ge [sflag:s15], $0x3E80  }
0x26: {  	[sflag:s15] =	ssyncset.done $0x0  }
0x27: {  	[sflag:s15] =	ssyncadd.s32 $0xFFFFC180  }
0x28: {  	[tilespmem:s16], [sflag:$0x1] =	stream.linear.gather [hbm4b:s8+s4], $0x2800, $0x38;
	[tilespmem:$0x1F400] =	vst v63  }
0x29: {  	_ = 	snop  }
0x2a: {  	[tilespmem:s17], [sflag:$0x2] =	stream.linear.gather [hbm4b:s9+s4], $0x2800, $0x38;
	[tilespmem:$0x1F400] =	vst v63  }
0x2b: {  	_ = 	snop  }
0x2c: {  	[tilespmem:s18], [sflag:$0x3] =	stream.linear.gather [hbm4b:s10+s4], $0x2800, $0x38;
	[tilespmem:$0x1F400] =	vst v63  }
.Ltmp2:
0x2d: {  	_ =	swait.ge [sflag:s19], $0x2780;
	(pc) =	sbr.rel .LBB2_2-.Ltmp2, $4  }
0x2e: {  	[sflag:s19] =	ssyncset.done $0x0  }
0x2f: {  	[sflag:s19] =	ssyncadd.s32 $0xFFFFD880  }
0x30: {  	[bflag:$0x0] =	sbarrier.arrive $0xFFFF  }
0x31: {  	s26 =	simm.s32 $0x0;
	s28 =	simm.s32 $0x0  }
.LBB2_4:
0x32: {  	_ =	swait.ge [sflag:s20], $0x2800  }
0x33: {  	[sflag:s20] =	ssyncset.done $0x0  }
0x34: {  	[sflag:s20] =	ssyncadd.s32 $0xFFFFD800  }
0x35: {  	[spmem:s3] =	stream.indirect.scatter.add.f32 [tilespmem:s18], [sflag:$0x5], $0x80, s26, s21, $0xb8;
	[tilespmem:$0x1F400] =	vst v63  }
0x36: {  	_ =	swait.ge [sflag:s15], $0x2800  }
0x37: {  	[sflag:s15] =	ssyncset.done $0x0  }
0x38: {  	[sflag:s15] =	ssyncadd.s32 $0xFFFFD800  }
0x39: {  	[tilespmem:s18], [sflag:$0x3] =	stream.linear.gather [hbm4b:s29+s4], $0x2800, $0x38;
	[tilespmem:$0x1F400] =	vst v63  }
.LBB2_5:
0x3a: {  	s28 =	sadd.s32 $0x1, s28  }
0x3b: {  	p0 =	sne.s32 s28, $0x7D  }
.Ltmp3:
0x3c: {  	_ = 	snop;
	(pc) =	sbr.rel @!p0 .LBB2_6-.Ltmp3, $2  }
0x3d: {  	_ =	sdelay $0x2  }
0x3e: {  	s26 =	sadd.s32 $0x80, s26  }
.LBB2_2:
0x3f: {  	s29 =	smul.u32 $0xAB, s28;
	_ =	sdelay $0x1  }
0x40: {  	s29 =	sshrl.u32 s29, $0x9  }
0x41: {  	s29 =	sand.u32 $0x7F, s29  }
0x42: {  	s29 =	smul.u32 $0x3, s29;
	_ =	sdelay $0x1  }
0x43: {  	s30 =	smin.u32 s28, $0x79;
	s29 =	ssub.s32 s28, s29  }
0x44: {  	s31 =	smul.u32 $0x50, s30;
	s30 =	sand.u32 $0xFF, s29  }
0x45: {  	p0 =	seq.s32 s30, $0x2  }
.Ltmp4:
0x46: {  	_ = 	snop;
	(pc) =	sbr.rel @p0 .LBB2_4-.Ltmp4, $4  }
0x47: {  	_ = 	snop  }
0x48: {  	s29 =	sadd.s32 s31, s11  }
0x49: {  	s29 =	sshll.u32 s29, $0x4  }
0x4a: {  	s29 =	sadd.s32 s0, s29  }
0x4b: {  	p0 =	seq.s32 s30, $0x1  }
0x4c: {  	_ =	swait.ge @p0 [sflag:s23], $0x2800  }
0x4d: {  	[sflag:s23] =	ssyncset.done @p0 $0x0  }
0x4e: {  	[sflag:s23] =	ssyncadd.s32 @p0 $0xFFFFD800  }
0x4f: {  	[spmem:s3] =	stream.indirect.scatter.add.f32 @p0 [tilespmem:s17], [sflag:$0x5], $0x80, s26, s21, $0xb8;
	[tilespmem:$0x1F400] =	vst v63  }
0x50: {  	_ =	swait.ge @p0 [sflag:s15], $0x2800  }
0x51: {  	[sflag:s15] =	ssyncset.done @p0 $0x0  }
0x52: {  	[sflag:s15] =	ssyncadd.s32 @p0 $0xFFFFD800  }
0x53: {  	[tilespmem:s17], [sflag:$0x2] =	stream.linear.gather @p0 [hbm4b:s29+s4], $0x2800, $0x38;
	[tilespmem:$0x1F400] =	vst v63  }
0x54: {  	_ =	swait.ge @!p0 [sflag:s22], $0x2800  }
0x55: {  	[sflag:s22] =	ssyncset.done @!p0 $0x0  }
0x56: {  	[sflag:s22] =	ssyncadd.s32 @!p0 $0xFFFFD800  }
0x57: {  	[spmem:s3] =	stream.indirect.scatter.add.f32 @!p0 [tilespmem:s16], [sflag:$0x5], $0x80, s26, s21, $0xb8;
	[tilespmem:$0x1F400] =	vst v63  }
.Ltmp5:
0x58: {  	_ = 	snop;
	(pc) =	sbr.rel .LBB2_5-.Ltmp5, $4  }
0x59: {  	_ =	swait.ge @!p0 [sflag:s15], $0x2800  }
0x5a: {  	[sflag:s15] =	ssyncset.done @!p0 $0x0  }
0x5b: {  	[sflag:s15] =	ssyncadd.s32 @!p0 $0xFFFFD800  }
0x5c: {  	[tilespmem:s16], [sflag:$0x1] =	stream.linear.gather @!p0 [hbm4b:s29+s4], $0x2800, $0x38;
	[tilespmem:$0x1F400] =	vst v63  }
.LBB2_7:
0x5d: {  	_ =	sfence.sel $0x180000  }
0x5e: {  	[bflag:$0x0] =	sbarrier.arrive $0xFFFF  }
0x5f: {  	p0 =	sne.s32 s1, $0x0;
	_ =	strace $0x90000047  }
0x60: {  	s0 =	sadd.s32 @!p0 $0x100000, s2;
	[bflag:$0x2] =	sbarrier.arrive $0xFFFF  }
0x61: {  	[sflag:s0] =	ssyncadd.tile.s32 @!p0 $0x1;
	_ =	shalt  }
.Lfunc_end2:
_tile_overlayer_lowered:
.L_overlay_start_2:
0x62: {  	(tag) =	ssettag $0x2  }
0x63: {  	s0 =	rddreg [dreg:$0x0];
	s2 =	stileid.u32  }
0x64: {  	s1 =	rddreg [dreg:$0x1];
	p0 =	sne.s32 s2, $0x0  }
0x65: {  	s3 =	rddreg [dreg:$0x2];
	[bflag:$0x3] =	sbarrier.arrive $0xFFFF;
	s2 =	simm.s32 @!p0 $0x1C05  }
0x66: {  	[timem:s3], [sflag:s2] =	dma.local @!p0 [hbm:s0], s1  }
0x67: {  	s0 =	simm.s32 @!p0 $0x5  }
0x68: {  	_ =	swait.ge @!p0 [sflag:s0], s1  }
0x69: {  	s1 =	ssub.s32 @!p0 $0x0, s1;
	[sflag:s0] =	ssyncset.done @!p0 $0x0  }
0x6a: {  	[sflag:s0] =	ssyncadd.s32 @!p0 s1  }
0x6b: {  	[bflag:$0x3] =	sbarrier.arrive $0xFFFF  }
0x6c: {  	_ =	shalt  }

</sc_bundles>
